<compile_context>
chip_gen: v7x
topology: tpu7x:2x2x1
jax: 0.10.2.dev20260603
libtpu: 0.0.44.dev20260713+nightly
codegen_flags: <defaults>
</compile_context>

<pallas_src>
import functools

import jax
import jax.numpy as jnp
from jax import lax
from jax.experimental import pallas as pl
from jax.experimental.pallas import tpu as pltpu
from jax.experimental.pallas import tpu_sc as plsc

_ROWS = 8192
_DIM = 1024

_info = plsc.get_sparse_core_info()
_NC = _info.num_cores
_RPC = _ROWS // _NC

_CH = 512
_NCHUNK = _RPC // _CH
_NBUF = 3


def _make_scs_copy():
    mesh = plsc.ScalarSubcoreMesh(axis_name="c", num_cores=_NC)

    @functools.partial(
        pl.kernel,
        mesh=mesh,
        out_type=jax.ShapeDtypeStruct((_ROWS, _DIM), jnp.float32),
        scratch_types=(
            [pltpu.VMEM_SHARED((_CH, _DIM), jnp.float32) for _ in range(_NBUF)]
            + [pltpu.SemaphoreType.DMA, pltpu.SemaphoreType.DMA]
        ),
    )
    def scs_copy(table_hbm, out_hbm, *scratch):
        bufs = scratch[:_NBUF]
        gsem, ssem = scratch[_NBUF], scratch[_NBUF + 1]
        base = lax.axis_index("c") * _RPC

        gathers = [None] * _NCHUNK
        scatters = [None] * _NCHUNK
        for i in range(_NCHUNK):
            b = bufs[i % _NBUF]
            if i >= _NBUF:
                scatters[i - _NBUF].wait()
            gathers[i] = pltpu.make_async_copy(
                table_hbm.at[pl.ds(base + i * _CH, _CH)], b, gsem
            )
            gathers[i].start()
            if i > 0:
                gathers[i - 1].wait()
                scatters[i - 1] = pltpu.make_async_copy(
                    bufs[(i - 1) % _NBUF],
                    out_hbm.at[pl.ds(base + (i - 1) * _CH, _CH)],
                    ssem,
                )
                scatters[i - 1].start()
        gathers[_NCHUNK - 1].wait()
        scatters[_NCHUNK - 1] = pltpu.make_async_copy(
            bufs[(_NCHUNK - 1) % _NBUF],
            out_hbm.at[pl.ds(base + (_NCHUNK - 1) * _CH, _CH)],
            ssem,
        )
        scatters[_NCHUNK - 1].start()
        for i in range(max(0, _NCHUNK - _NBUF), _NCHUNK):
            scatters[i].wait()

    return scs_copy


_scs_copy = _make_scs_copy()


@jax.jit
def kernel(x, pos_emb):
    del x
    return _scs_copy(pos_emb)

# --- scband reference (transcript-rebuilt; emitter-appended) ---
"""Pipeline reference for scband-positional-embedding-39522289058171 (READ-ONLY COPY).

The authoritative reference and input builder live on the scoring server;
editing this copy changes nothing except your own understanding.
"""

import jax, jax.numpy as jnp
import numpy as np

MAX_LEN = 8192
EMB_DIM = 1024

def setup_inputs(seed: int = 0) -> dict:
    key = jax.random.key(seed)
    k_x, k_emb = jax.random.split(key)
    x = jax.random.normal(k_x, (4, 8192, 1024), dtype=jnp.float32)
    pos_emb = jax.random.normal(k_emb, (MAX_LEN, EMB_DIM), dtype=jnp.float32) * 0.02
    return {"x": x, "pos_emb": pos_emb}

def reference(x, pos_emb):
    seq_len = x.shape[1]
    positions = jnp.arange(seq_len)
    return jnp.take(pos_emb, positions, axis=0)

if __name__ == "__main__":
    import jax
    _d = setup_inputs()
    print(jax.jit(kernel)(*tuple(_d.values())))

</pallas_src>

<mosaic_0001>
#map = affine_map<(d0) -> (0, 0)>
module attributes {stable_mosaic.version = 14 : i64} {
  func.func @scs_copy(%arg0: i32, %arg1: memref<8192x1024xf32, #tpu.memory_space<hbm>>, %arg2: memref<8192x1024xf32, #tpu.memory_space<hbm>>, %arg3: memref<512x1024xf32, #tpu.memory_space<vmem_shared>>, %arg4: memref<512x1024xf32, #tpu.memory_space<vmem_shared>>, %arg5: memref<512x1024xf32, #tpu.memory_space<vmem_shared>>, %arg6: memref<!tpu.dma_semaphore, #tpu.memory_space<semaphore_mem>>, %arg7: memref<!tpu.dma_semaphore, #tpu.memory_space<semaphore_mem>>) attributes {dimension_semantics = [#tpu.dimension_semantics<core_parallel>], iteration_bounds = array<i64: 2>, scalar_prefetch = 0 : i64, scratch_operands = 5 : i64, tpu.core_type = #tpu.core_type<sc_scalar_subcore>, window_params = [{transform_indices = #map}, {transform_indices = #map}]} {
    %mul3A = arith.constant 4096 : i32
    %mul3A_0 = arith.muli %arg0, %mul3A : i32
    %add3A = arith.constant 0 : i32
    %add3A_1 = arith.addi %mul3A_0, %add3A : i32
    %dma_start3A = arith.constant 0 : i32
    %dma_start3A_2 = tpu.memref_slice %arg1[%add3A_1, %dma_start3A] : memref<8192x1024xf32, #tpu.memory_space<hbm>> -> memref<512x1024xf32, #tpu.memory_space<hbm>>
    tpu.enqueue_dma source(%dma_start3A_2 : memref<512x1024xf32, #tpu.memory_space<hbm>>) target(%arg3 : memref<512x1024xf32, #tpu.memory_space<vmem_shared>>) target_semaphore(%arg6 : memref<!tpu.dma_semaphore, #tpu.memory_space<semaphore_mem>>)
    %add3A_3 = arith.constant 512 : i32
    %add3A_4 = arith.addi %mul3A_0, %add3A_3 : i32
    %dma_start3A_5 = arith.constant 0 : i32
    %dma_start3A_6 = tpu.memref_slice %arg1[%add3A_4, %dma_start3A_5] : memref<8192x1024xf32, #tpu.memory_space<hbm>> -> memref<512x1024xf32, #tpu.memory_space<hbm>>
    tpu.enqueue_dma source(%dma_start3A_6 : memref<512x1024xf32, #tpu.memory_space<hbm>>) target(%arg4 : memref<512x1024xf32, #tpu.memory_space<vmem_shared>>) target_semaphore(%arg6 : memref<!tpu.dma_semaphore, #tpu.memory_space<semaphore_mem>>)
    %dma_wait3A = arith.constant 0 : i32
    %dma_wait3A_7 = tpu.memref_slice %arg1[%add3A_1, %dma_wait3A] : memref<8192x1024xf32, #tpu.memory_space<hbm>> -> memref<512x1024xf32, #tpu.memory_space<hbm>>
    tpu.wait_dma2 semaphore(%arg6 : memref<!tpu.dma_semaphore, #tpu.memory_space<semaphore_mem>>) src(%dma_wait3A_7 : memref<512x1024xf32, #tpu.memory_space<hbm>>) dst(%arg3 : memref<512x1024xf32, #tpu.memory_space<vmem_shared>>)
    %add3A_8 = arith.constant 0 : i32
    %add3A_9 = arith.addi %mul3A_0, %add3A_8 : i32
    %dma_start3A_10 = arith.constant 0 : i32
    %dma_start3A_11 = tpu.memref_slice %arg2[%add3A_9, %dma_start3A_10] : memref<8192x1024xf32, #tpu.memory_space<hbm>> -> memref<512x1024xf32, #tpu.memory_space<hbm>>
    tpu.enqueue_dma source(%arg3 : memref<512x1024xf32, #tpu.memory_space<vmem_shared>>) target(%dma_start3A_11 : memref<512x1024xf32, #tpu.memory_space<hbm>>) target_semaphore(%arg7 : memref<!tpu.dma_semaphore, #tpu.memory_space<semaphore_mem>>)
    %add3A_12 = arith.constant 1024 : i32
    %add3A_13 = arith.addi %mul3A_0, %add3A_12 : i32
    %dma_start3A_14 = arith.constant 0 : i32
    %dma_start3A_15 = tpu.memref_slice %arg1[%add3A_13, %dma_start3A_14] : memref<8192x1024xf32, #tpu.memory_space<hbm>> -> memref<512x1024xf32, #tpu.memory_space<hbm>>
    tpu.enqueue_dma source(%dma_start3A_15 : memref<512x1024xf32, #tpu.memory_space<hbm>>) target(%arg5 : memref<512x1024xf32, #tpu.memory_space<vmem_shared>>) target_semaphore(%arg6 : memref<!tpu.dma_semaphore, #tpu.memory_space<semaphore_mem>>)
    %dma_wait3A_16 = arith.constant 0 : i32
    %dma_wait3A_17 = tpu.memref_slice %arg1[%add3A_4, %dma_wait3A_16] : memref<8192x1024xf32, #tpu.memory_space<hbm>> -> memref<512x1024xf32, #tpu.memory_space<hbm>>
    tpu.wait_dma2 semaphore(%arg6 : memref<!tpu.dma_semaphore, #tpu.memory_space<semaphore_mem>>) src(%dma_wait3A_17 : memref<512x1024xf32, #tpu.memory_space<hbm>>) dst(%arg4 : memref<512x1024xf32, #tpu.memory_space<vmem_shared>>)
    %add3A_18 = arith.constant 512 : i32
    %add3A_19 = arith.addi %mul3A_0, %add3A_18 : i32
    %dma_start3A_20 = arith.constant 0 : i32
    %dma_start3A_21 = tpu.memref_slice %arg2[%add3A_19, %dma_start3A_20] : memref<8192x1024xf32, #tpu.memory_space<hbm>> -> memref<512x1024xf32, #tpu.memory_space<hbm>>
    tpu.enqueue_dma source(%arg4 : memref<512x1024xf32, #tpu.memory_space<vmem_shared>>) target(%dma_start3A_21 : memref<512x1024xf32, #tpu.memory_space<hbm>>) target_semaphore(%arg7 : memref<!tpu.dma_semaphore, #tpu.memory_space<semaphore_mem>>)
    %dma_wait3A_22 = arith.constant 0 : i32
    %dma_wait3A_23 = tpu.memref_slice %arg2[%add3A_9, %dma_wait3A_22] : memref<8192x1024xf32, #tpu.memory_space<hbm>> -> memref<512x1024xf32, #tpu.memory_space<hbm>>
    tpu.wait_dma2 semaphore(%arg7 : memref<!tpu.dma_semaphore, #tpu.memory_space<semaphore_mem>>) src(%arg3 : memref<512x1024xf32, #tpu.memory_space<vmem_shared>>) dst(%dma_wait3A_23 : memref<512x1024xf32, #tpu.memory_space<hbm>>)
    %add3A_24 = arith.constant 1536 : i32
    %add3A_25 = arith.addi %mul3A_0, %add3A_24 : i32
    %dma_start3A_26 = arith.constant 0 : i32
    %dma_start3A_27 = tpu.memref_slice %arg1[%add3A_25, %dma_start3A_26] : memref<8192x1024xf32, #tpu.memory_space<hbm>> -> memref<512x1024xf32, #tpu.memory_space<hbm>>
    tpu.enqueue_dma source(%dma_start3A_27 : memref<512x1024xf32, #tpu.memory_space<hbm>>) target(%arg3 : memref<512x1024xf32, #tpu.memory_space<vmem_shared>>) target_semaphore(%arg6 : memref<!tpu.dma_semaphore, #tpu.memory_space<semaphore_mem>>)
    %dma_wait3A_28 = arith.constant 0 : i32
    %dma_wait3A_29 = tpu.memref_slice %arg1[%add3A_13, %dma_wait3A_28] : memref<8192x1024xf32, #tpu.memory_space<hbm>> -> memref<512x1024xf32, #tpu.memory_space<hbm>>
    tpu.wait_dma2 semaphore(%arg6 : memref<!tpu.dma_semaphore, #tpu.memory_space<semaphore_mem>>) src(%dma_wait3A_29 : memref<512x1024xf32, #tpu.memory_space<hbm>>) dst(%arg5 : memref<512x1024xf32, #tpu.memory_space<vmem_shared>>)
    %add3A_30 = arith.constant 1024 : i32
    %add3A_31 = arith.addi %mul3A_0, %add3A_30 : i32
    %dma_start3A_32 = arith.constant 0 : i32
    %dma_start3A_33 = tpu.memref_slice %arg2[%add3A_31, %dma_start3A_32] : memref<8192x1024xf32, #tpu.memory_space<hbm>> -> memref<512x1024xf32, #tpu.memory_space<hbm>>
    tpu.enqueue_dma source(%arg5 : memref<512x1024xf32, #tpu.memory_space<vmem_shared>>) target(%dma_start3A_33 : memref<512x1024xf32, #tpu.memory_space<hbm>>) target_semaphore(%arg7 : memref<!tpu.dma_semaphore, #tpu.memory_space<semaphore_mem>>)
    %dma_wait3A_34 = arith.constant 0 : i32
    %dma_wait3A_35 = tpu.memref_slice %arg2[%add3A_19, %dma_wait3A_34] : memref<8192x1024xf32, #tpu.memory_space<hbm>> -> memref<512x1024xf32, #tpu.memory_space<hbm>>
    tpu.wait_dma2 semaphore(%arg7 : memref<!tpu.dma_semaphore, #tpu.memory_space<semaphore_mem>>) src(%arg4 : memref<512x1024xf32, #tpu.memory_space<vmem_shared>>) dst(%dma_wait3A_35 : memref<512x1024xf32, #tpu.memory_space<hbm>>)
    %add3A_36 = arith.constant 2048 : i32
    %add3A_37 = arith.addi %mul3A_0, %add3A_36 : i32
    %dma_start3A_38 = arith.constant 0 : i32
    %dma_start3A_39 = tpu.memref_slice %arg1[%add3A_37, %dma_start3A_38] : memref<8192x1024xf32, #tpu.memory_space<hbm>> -> memref<512x1024xf32, #tpu.memory_space<hbm>>
    tpu.enqueue_dma source(%dma_start3A_39 : memref<512x1024xf32, #tpu.memory_space<hbm>>) target(%arg4 : memref<512x1024xf32, #tpu.memory_space<vmem_shared>>) target_semaphore(%arg6 : memref<!tpu.dma_semaphore, #tpu.memory_space<semaphore_mem>>)
    %dma_wait3A_40 = arith.constant 0 : i32
    %dma_wait3A_41 = tpu.memref_slice %arg1[%add3A_25, %dma_wait3A_40] : memref<8192x1024xf32, #tpu.memory_space<hbm>> -> memref<512x1024xf32, #tpu.memory_space<hbm>>
    tpu.wait_dma2 semaphore(%arg6 : memref<!tpu.dma_semaphore, #tpu.memory_space<semaphore_mem>>) src(%dma_wait3A_41 : memref<512x1024xf32, #tpu.memory_space<hbm>>) dst(%arg3 : memref<512x1024xf32, #tpu.memory_space<vmem_shared>>)
    %add3A_42 = arith.constant 1536 : i32
    %add3A_43 = arith.addi %mul3A_0, %add3A_42 : i32
    %dma_start3A_44 = arith.constant 0 : i32
    %dma_start3A_45 = tpu.memref_slice %arg2[%add3A_43, %dma_start3A_44] : memref<8192x1024xf32, #tpu.memory_space<hbm>> -> memref<512x1024xf32, #tpu.memory_space<hbm>>
    tpu.enqueue_dma source(%arg3 : memref<512x1024xf32, #tpu.memory_space<vmem_shared>>) target(%dma_start3A_45 : memref<512x1024xf32, #tpu.memory_space<hbm>>) target_semaphore(%arg7 : memref<!tpu.dma_semaphore, #tpu.memory_space<semaphore_mem>>)
    %dma_wait3A_46 = arith.constant 0 : i32
    %dma_wait3A_47 = tpu.memref_slice %arg2[%add3A_31, %dma_wait3A_46] : memref<8192x1024xf32, #tpu.memory_space<hbm>> -> memref<512x1024xf32, #tpu.memory_space<hbm>>
    tpu.wait_dma2 semaphore(%arg7 : memref<!tpu.dma_semaphore, #tpu.memory_space<semaphore_mem>>) src(%arg5 : memref<512x1024xf32, #tpu.memory_space<vmem_shared>>) dst(%dma_wait3A_47 : memref<512x1024xf32, #tpu.memory_space<hbm>>)
    %add3A_48 = arith.constant 2560 : i32
    %add3A_49 = arith.addi %mul3A_0, %add3A_48 : i32
    %dma_start3A_50 = arith.constant 0 : i32
    %dma_start3A_51 = tpu.memref_slice %arg1[%add3A_49, %dma_start3A_50] : memref<8192x1024xf32, #tpu.memory_space<hbm>> -> memref<512x1024xf32, #tpu.memory_space<hbm>>
    tpu.enqueue_dma source(%dma_start3A_51 : memref<512x1024xf32, #tpu.memory_space<hbm>>) target(%arg5 : memref<512x1024xf32, #tpu.memory_space<vmem_shared>>) target_semaphore(%arg6 : memref<!tpu.dma_semaphore, #tpu.memory_space<semaphore_mem>>)
    %dma_wait3A_52 = arith.constant 0 : i32
    %dma_wait3A_53 = tpu.memref_slice %arg1[%add3A_37, %dma_wait3A_52] : memref<8192x1024xf32, #tpu.memory_space<hbm>> -> memref<512x1024xf32, #tpu.memory_space<hbm>>
    tpu.wait_dma2 semaphore(%arg6 : memref<!tpu.dma_semaphore, #tpu.memory_space<semaphore_mem>>) src(%dma_wait3A_53 : memref<512x1024xf32, #tpu.memory_space<hbm>>) dst(%arg4 : memref<512x1024xf32, #tpu.memory_space<vmem_shared>>)
    %add3A_54 = arith.constant 2048 : i32
    %add3A_55 = arith.addi %mul3A_0, %add3A_54 : i32
    %dma_start3A_56 = arith.constant 0 : i32
    %dma_start3A_57 = tpu.memref_slice %arg2[%add3A_55, %dma_start3A_56] : memref<8192x1024xf32, #tpu.memory_space<hbm>> -> memref<512x1024xf32, #tpu.memory_space<hbm>>
    tpu.enqueue_dma source(%arg4 : memref<512x1024xf32, #tpu.memory_space<vmem_shared>>) target(%dma_start3A_57 : memref<512x1024xf32, #tpu.memory_space<hbm>>) target_semaphore(%arg7 : memref<!tpu.dma_semaphore, #tpu.memory_space<semaphore_mem>>)
    %dma_wait3A_58 = arith.constant 0 : i32
    %dma_wait3A_59 = tpu.memref_slice %arg2[%add3A_43, %dma_wait3A_58] : memref<8192x1024xf32, #tpu.memory_space<hbm>> -> memref<512x1024xf32, #tpu.memory_space<hbm>>
    tpu.wait_dma2 semaphore(%arg7 : memref<!tpu.dma_semaphore, #tpu.memory_space<semaphore_mem>>) src(%arg3 : memref<512x1024xf32, #tpu.memory_space<vmem_shared>>) dst(%dma_wait3A_59 : memref<512x1024xf32, #tpu.memory_space<hbm>>)
    %add3A_60 = arith.constant 3072 : i32
    %add3A_61 = arith.addi %mul3A_0, %add3A_60 : i32
    %dma_start3A_62 = arith.constant 0 : i32
    %dma_start3A_63 = tpu.memref_slice %arg1[%add3A_61, %dma_start3A_62] : memref<8192x1024xf32, #tpu.memory_space<hbm>> -> memref<512x1024xf32, #tpu.memory_space<hbm>>
    tpu.enqueue_dma source(%dma_start3A_63 : memref<512x1024xf32, #tpu.memory_space<hbm>>) target(%arg3 : memref<512x1024xf32, #tpu.memory_space<vmem_shared>>) target_semaphore(%arg6 : memref<!tpu.dma_semaphore, #tpu.memory_space<semaphore_mem>>)
    %dma_wait3A_64 = arith.constant 0 : i32
    %dma_wait3A_65 = tpu.memref_slice %arg1[%add3A_49, %dma_wait3A_64] : memref<8192x1024xf32, #tpu.memory_space<hbm>> -> memref<512x1024xf32, #tpu.memory_space<hbm>>
    tpu.wait_dma2 semaphore(%arg6 : memref<!tpu.dma_semaphore, #tpu.memory_space<semaphore_mem>>) src(%dma_wait3A_65 : memref<512x1024xf32, #tpu.memory_space<hbm>>) dst(%arg5 : memref<512x1024xf32, #tpu.memory_space<vmem_shared>>)
    %add3A_66 = arith.constant 2560 : i32
    %add3A_67 = arith.addi %mul3A_0, %add3A_66 : i32
    %dma_start3A_68 = arith.constant 0 : i32
    %dma_start3A_69 = tpu.memref_slice %arg2[%add3A_67, %dma_start3A_68] : memref<8192x1024xf32, #tpu.memory_space<hbm>> -> memref<512x1024xf32, #tpu.memory_space<hbm>>
    tpu.enqueue_dma source(%arg5 : memref<512x1024xf32, #tpu.memory_space<vmem_shared>>) target(%dma_start3A_69 : memref<512x1024xf32, #tpu.memory_space<hbm>>) target_semaphore(%arg7 : memref<!tpu.dma_semaphore, #tpu.memory_space<semaphore_mem>>)
    %dma_wait3A_70 = arith.constant 0 : i32
    %dma_wait3A_71 = tpu.memref_slice %arg2[%add3A_55, %dma_wait3A_70] : memref<8192x1024xf32, #tpu.memory_space<hbm>> -> memref<512x1024xf32, #tpu.memory_space<hbm>>
    tpu.wait_dma2 semaphore(%arg7 : memref<!tpu.dma_semaphore, #tpu.memory_space<semaphore_mem>>) src(%arg4 : memref<512x1024xf32, #tpu.memory_space<vmem_shared>>) dst(%dma_wait3A_71 : memref<512x1024xf32, #tpu.memory_space<hbm>>)
    %add3A_72 = arith.constant 3584 : i32
    %add3A_73 = arith.addi %mul3A_0, %add3A_72 : i32
    %dma_start3A_74 = arith.constant 0 : i32
    %dma_start3A_75 = tpu.memref_slice %arg1[%add3A_73, %dma_start3A_74] : memref<8192x1024xf32, #tpu.memory_space<hbm>> -> memref<512x1024xf32, #tpu.memory_space<hbm>>
    tpu.enqueue_dma source(%dma_start3A_75 : memref<512x1024xf32, #tpu.memory_space<hbm>>) target(%arg4 : memref<512x1024xf32, #tpu.memory_space<vmem_shared>>) target_semaphore(%arg6 : memref<!tpu.dma_semaphore, #tpu.memory_space<semaphore_mem>>)
    %dma_wait3A_76 = arith.constant 0 : i32
    %dma_wait3A_77 = tpu.memref_slice %arg1[%add3A_61, %dma_wait3A_76] : memref<8192x1024xf32, #tpu.memory_space<hbm>> -> memref<512x1024xf32, #tpu.memory_space<hbm>>
    tpu.wait_dma2 semaphore(%arg6 : memref<!tpu.dma_semaphore, #tpu.memory_space<semaphore_mem>>) src(%dma_wait3A_77 : memref<512x1024xf32, #tpu.memory_space<hbm>>) dst(%arg3 : memref<512x1024xf32, #tpu.memory_space<vmem_shared>>)
    %add3A_78 = arith.constant 3072 : i32
    %add3A_79 = arith.addi %mul3A_0, %add3A_78 : i32
    %dma_start3A_80 = arith.constant 0 : i32
    %dma_start3A_81 = tpu.memref_slice %arg2[%add3A_79, %dma_start3A_80] : memref<8192x1024xf32, #tpu.memory_space<hbm>> -> memref<512x1024xf32, #tpu.memory_space<hbm>>
    tpu.enqueue_dma source(%arg3 : memref<512x1024xf32, #tpu.memory_space<vmem_shared>>) target(%dma_start3A_81 : memref<512x1024xf32, #tpu.memory_space<hbm>>) target_semaphore(%arg7 : memref<!tpu.dma_semaphore, #tpu.memory_space<semaphore_mem>>)
    %dma_wait3A_82 = arith.constant 0 : i32
    %dma_wait3A_83 = tpu.memref_slice %arg1[%add3A_73, %dma_wait3A_82] : memref<8192x1024xf32, #tpu.memory_space<hbm>> -> memref<512x1024xf32, #tpu.memory_space<hbm>>
    tpu.wait_dma2 semaphore(%arg6 : memref<!tpu.dma_semaphore, #tpu.memory_space<semaphore_mem>>) src(%dma_wait3A_83 : memref<512x1024xf32, #tpu.memory_space<hbm>>) dst(%arg4 : memref<512x1024xf32, #tpu.memory_space<vmem_shared>>)
    %add3A_84 = arith.constant 3584 : i32
    %add3A_85 = arith.addi %mul3A_0, %add3A_84 : i32
    %dma_start3A_86 = arith.constant 0 : i32
    %dma_start3A_87 = tpu.memref_slice %arg2[%add3A_85, %dma_start3A_86] : memref<8192x1024xf32, #tpu.memory_space<hbm>> -> memref<512x1024xf32, #tpu.memory_space<hbm>>
    tpu.enqueue_dma source(%arg4 : memref<512x1024xf32, #tpu.memory_space<vmem_shared>>) target(%dma_start3A_87 : memref<512x1024xf32, #tpu.memory_space<hbm>>) target_semaphore(%arg7 : memref<!tpu.dma_semaphore, #tpu.memory_space<semaphore_mem>>)
    %dma_wait3A_88 = arith.constant 0 : i32
    %dma_wait3A_89 = tpu.memref_slice %arg2[%add3A_67, %dma_wait3A_88] : memref<8192x1024xf32, #tpu.memory_space<hbm>> -> memref<512x1024xf32, #tpu.memory_space<hbm>>
    tpu.wait_dma2 semaphore(%arg7 : memref<!tpu.dma_semaphore, #tpu.memory_space<semaphore_mem>>) src(%arg5 : memref<512x1024xf32, #tpu.memory_space<vmem_shared>>) dst(%dma_wait3A_89 : memref<512x1024xf32, #tpu.memory_space<hbm>>)
    %dma_wait3A_90 = arith.constant 0 : i32
    %dma_wait3A_91 = tpu.memref_slice %arg2[%add3A_79, %dma_wait3A_90] : memref<8192x1024xf32, #tpu.memory_space<hbm>> -> memref<512x1024xf32, #tpu.memory_space<hbm>>
    tpu.wait_dma2 semaphore(%arg7 : memref<!tpu.dma_semaphore, #tpu.memory_space<semaphore_mem>>) src(%arg3 : memref<512x1024xf32, #tpu.memory_space<vmem_shared>>) dst(%dma_wait3A_91 : memref<512x1024xf32, #tpu.memory_space<hbm>>)
    %dma_wait3A_92 = arith.constant 0 : i32
    %dma_wait3A_93 = tpu.memref_slice %arg2[%add3A_85, %dma_wait3A_92] : memref<8192x1024xf32, #tpu.memory_space<hbm>> -> memref<512x1024xf32, #tpu.memory_space<hbm>>
    tpu.wait_dma2 semaphore(%arg7 : memref<!tpu.dma_semaphore, #tpu.memory_space<semaphore_mem>>) src(%arg4 : memref<512x1024xf32, #tpu.memory_space<vmem_shared>>) dst(%dma_wait3A_93 : memref<512x1024xf32, #tpu.memory_space<hbm>>)
    return
  }
}

</mosaic_0001>

<sc_bundles>
// kernel: kernel.3.cloned.1.call-start
scs
__scs_entry_jumppad:
0x0: {  	(pc) =	sbr.rel $0x88, $3  }
0x1: {  	(tag) =	ssettag $0x0;
	lr =	simm.s32 $0x1  }
0x2: {  	[smem:$0x3FA0] =	sst lr;
	_ =	strace $0xD0000000  }
0x3: {  	_ = 	snop  }
0x4: {  	_ = 	snop  }
0x5: {  	_ = 	snop  }
0x6: {  	_ = 	snop  }
0x7: {  	_ = 	snop  }
__scs_overlays_trampoline_lowered:
0x8: {  	[smem:$0x3FAF] =	sst s0  }
0x9: {  	[smem:$0x3FB0] =	sst s1  }
0xa: {  	[smem:$0x3FB1] =	sst s2  }
0xb: {  	[smem:$0x3FB2] =	sst s3  }
0xc: {  	[smem:$0x3FB3] =	sst s4  }
0xd: {  	[smem:$0x3FB4] =	sst s5  }
0xe: {  	[smem:$0x3FB5] =	sst s6  }
0xf: {  	[smem:$0x3FB6] =	sst s7  }
0x10: {  	[smem:$0x3FB7] =	sst s8  }
0x11: {  	[smem:$0x3FB8] =	sst s9;
	s0 =	simm.s32 @!p0 $0x0  }
0x12: {  	s1 =	sld [smem:$0x3F9E];
	s0 =	simm.s32 @p0 $0x1  }
0x13: {  	[smem:$0x3FB9] =	sst s0;
	s0 =	simm.s32 @!p1 $0x0  }
0x14: {  	s2 =	sld [smem:$0x3F9D];
	s0 =	simm.s32 @p1 $0x1  }
0x15: {  	[smem:$0x3FBA] =	sst s0;
	s0 =	simm.s32 @!p2 $0x0  }
0x16: {  	s3 =	sld [smem:$0x3FDB];
	s0 =	simm.s32 @p2 $0x1  }
0x17: {  	s4 =	simm.s32 $0x1BF5;
	[smem:$0x3FBC] =	sst s0  }
0x18: {  	s0 =	sld [smem:$0x3F9F];
	_ =	swait.ge [sflag:s4], $0x0  }
0x19: {  	s7 =	sld [smem:$0x3FA0]  }
0x1a: {  	s8 =	sadd.s32 $0xFFFFE003, lr  }
0x1b: {  	s9 =	sadd.s32 $0xFFFFFEF7, lr;
	s5 =	simm.s32 $0xFFFFFFFF;
	p2 =	slt.u32 s8, $0xFFFFF086  }
0x1c: {  	p1 =	slt.u32 s9, $0xF7A;
	s5 =	simm.s32 @!p2 $0x0  }
0x1d: {  	s5 =	simm.s32 @p1 $0x1;
	p0 =	seq.s32 s7, s2  }
0x1e: {  	s7 =	smul.u32 @!p0 $0xF7A, s2;
	p2 =	seq.s32 @!p0 s5, $0x0  }
0x1f: {  	s9 =	smul.u32 $0xF7A, s1;
	s8 =	simm.s32 @!p0 $0x1BF5;
	p2 =	por !p2, p0  }
0x20: {  	[sflag:s8] =	ssyncset.s32 @!p0 $0xFFFFF086;
	s6 =	sadd.s32 @!p0 s3, s7;
	s7 =	simm.s32 @!p0 $0x108  }
0x21: {  	s3 =	sadd.s32 s3, s9;
	s6 =	sadd.s32 @!p0 $0x88, s6;
	s7 =	simm.s32 @p2 $0x1082  }
0x22: {  	[simem:s7], [sflag:s8] =	dma.local @!p0 [hbm:s6], $0xF7A  }
0x23: {  	s9 =	sor.u32 $0xD0000000, s2;
	s6 =	simm.s32 $0x108;
	_ =	swait.ge @!p0 [sflag:s8], $0x0  }
0x24: {  	s3 =	sadd.s32 $0x88, s3;
	s6 =	simm.s32 @!p1 $0x1082;
	[sflag:s4] =	ssyncset.s32 $0xFFFFF086  }
0x25: {  	[simem:s6], [sflag:s4] =	dma.local [hbm:s3], $0xF7A  }
0x26: {  	[smem:$0x3FA0] =	sst s1;
	(tag) =	ssettag s2;
	_ =	strace s9  }
0x27: {  	s1 =	sld [smem:$0x3FB0]  }
0x28: {  	s2 =	sld [smem:$0x3FB1]  }
0x29: {  	s4 =	sld [smem:$0x3FB3]  }
0x2a: {  	p0 =	seq.s32 s5, $0x0;
	s5 =	sld [smem:$0x3FB4]  }
0x2b: {  	s6 =	sld [smem:$0x3FB5]  }
0x2c: {  	s7 =	sld [smem:$0x3FB6]  }
0x2d: {  	s3 =	simm.s32 $0x108;
	s8 =	sld [smem:$0x3FB7]  }
0x2e: {  	s3 =	simm.s32 @!p0 $0x1082;
	s9 =	sld [smem:$0x3FB8]  }
0x2f: {  	lr =	sadd.s32 s0, s3;
	s0 =	sld [smem:$0x3FAF]  }
0x30: {  	s3 =	sld [smem:$0x3FB2]  }
0x31: {  	[smem:$0x3FBB] =	sst s10  }
0x32: {  	s10 =	sld [smem:$0x3FB9];
	_ =	sdelay $0x3  }
0x33: {  	p0 =	seq.s32 s10, $0x1;
	s10 =	sld [smem:$0x3FBB];
	_ =	sdelay $0x3  }
0x34: {  	[smem:$0x3FBB] =	sst s10  }
0x35: {  	s10 =	sld [smem:$0x3FBA];
	_ =	sdelay $0x3  }
0x36: {  	p1 =	seq.s32 s10, $0x1;
	s10 =	sld [smem:$0x3FBB];
	_ =	sdelay $0x3  }
0x37: {  	[smem:$0x3FBB] =	sst s10  }
0x38: {  	s10 =	sld [smem:$0x3FBC]  }
0x39: {  	_ = 	snop;
	(pc) =	sbr.ind lr, $3  }
0x3a: {  	_ = 	snop  }
0x3b: {  	_ = 	snop  }
0x3c: {  	p2 =	seq.s32 s10, $0x1;
	s10 =	sld [smem:$0x3FBB]  }
0x3d: {  	_ =	shalt  }
0x3e: {  	_ =	shalt  }
0x3f: {  	_ =	shalt  }
0x40: {  	_ =	shalt  }
0x41: {  	_ =	shalt  }
0x42: {  	_ =	shalt  }
0x43: {  	_ =	shalt  }
0x44: {  	_ =	shalt  }
0x45: {  	_ =	shalt  }
0x46: {  	_ =	shalt  }
0x47: {  	_ =	shalt  }
0x48: {  	_ =	shalt  }
0x49: {  	_ =	shalt  }
0x4a: {  	_ =	shalt  }
0x4b: {  	_ =	shalt  }
0x4c: {  	_ =	shalt  }
0x4d: {  	_ =	shalt  }
0x4e: {  	_ =	shalt  }
0x4f: {  	_ =	shalt  }
0x50: {  	_ =	shalt  }
0x51: {  	_ =	shalt  }
0x52: {  	_ =	shalt  }
0x53: {  	_ =	shalt  }
0x54: {  	_ =	shalt  }
0x55: {  	_ =	shalt  }
0x56: {  	_ =	shalt  }
0x57: {  	_ =	shalt  }
0x58: {  	_ =	shalt  }
0x59: {  	_ =	shalt  }
0x5a: {  	_ =	shalt  }
0x5b: {  	_ =	shalt  }
0x5c: {  	_ =	shalt  }
0x5d: {  	_ =	shalt  }
0x5e: {  	_ =	shalt  }
0x5f: {  	_ =	shalt  }
0x60: {  	_ =	shalt  }
0x61: {  	_ =	shalt  }
0x62: {  	_ =	shalt  }
0x63: {  	_ =	shalt  }
0x64: {  	_ =	shalt  }
0x65: {  	_ =	shalt  }
0x66: {  	_ =	shalt  }
0x67: {  	_ =	shalt  }
0x68: {  	_ =	shalt  }
0x69: {  	_ =	shalt  }
0x6a: {  	_ =	shalt  }
0x6b: {  	_ =	shalt  }
0x6c: {  	_ =	shalt  }
0x6d: {  	_ =	shalt  }
0x6e: {  	_ =	shalt  }
0x6f: {  	_ =	shalt  }
0x70: {  	_ =	shalt  }
0x71: {  	_ =	shalt  }
0x72: {  	_ =	shalt  }
0x73: {  	_ =	shalt  }
0x74: {  	_ =	shalt  }
0x75: {  	_ =	shalt  }
0x76: {  	_ =	shalt  }
0x77: {  	_ =	shalt  }
0x78: {  	_ =	shalt  }
0x79: {  	_ =	shalt  }
0x7a: {  	_ =	shalt  }
0x7b: {  	_ =	shalt  }
0x7c: {  	_ =	shalt  }
0x7d: {  	_ =	shalt  }
0x7e: {  	_ =	shalt  }
0x7f: {  	_ =	shalt  }
0x80: {  	_ =	shalt  }
0x81: {  	_ =	shalt  }
0x82: {  	_ =	shalt  }
0x83: {  	_ =	shalt  }
0x84: {  	_ =	shalt  }
0x85: {  	_ =	shalt  }
0x86: {  	_ =	shalt  }
0x87: {  	_ =	shalt  }
.Lfunc_end0:
.L_simem_size_0:
called_computation_lowered:
.L_overlay_start_0:
0x88: {  	s2 =	sld [smem:$0x3FD9]  }
0x89: {  	s3 =	sld [smem:$0x3FFE];
	_ =	sdelay $0x1  }
0x8a: {  	s1 =	srdreg.scid  }
0x8b: {  	s0 =	sand.u32 $0x1, s1  }
0x8c: {  	s12 =	sshll.u32 s0, $0xA;
	s2 =	sadd.s32 s3, s2  }
0x8d: {  	s2 =	sadd.s32 s2, s12  }
0x8e: {  	s13 =	simm.s32 $0x0;
	[smem:$0x3FC7] =	sst s2  }
0x8f: {  	[smem:$0xF] =	sst s13  }
0x90: {  	s4 =	sld [smem:$0x3FC9]  }
0x91: {  	s2 =	sld [smem:$0x3FD0];
	(tm) =	ssettm $0x1  }
0x92: {  	s5 =	sld [smem:$0x3FFB];
	_ =	sdelay $0x3  }
0x93: {  	_ =	strace s5  }
0x94: {  	s5 =	sld [smem:$0x3FFC];
	_ =	sdelay $0x3  }
0x95: {  	_ =	strace s5  }
0x96: {  	s5 =	sld [smem:$0x3FFD];
	_ =	sdelay $0x3  }
0x97: {  	_ =	strace s5  }
0x98: {  	s14 =	simm.s32 $0x1B8B;
	_ =	strace $0x8FFFFFFF  }
0x99: {  	_ =	swait.ge [sflag:s14], $0x1  }
0x9a: {  	s15 =	simm.s32 $0x1B8E;
	[sflag:s14] =	ssyncset.done $0x0  }
0x9b: {  	s6 =	simm.s32 $0x9;
	s8 =	sshll.u32 s0, $0x13;
	[sflag:s14] =	ssyncadd.s32 $0xFFFFFFFF  }
0x9c: {  	s7 =	simm.s32 $0x10000;
	s9 =	sor.u32 $0x10000, s8;
	[smem:$0x3FD2] =	sst s15  }
0x9d: {  	s16 =	sadd.s32 s8, s4;
	s17 =	sadd.s32 s9, s4;
	_ =	strace $0x80000046  }
0x9e: {  	[spmem:s13], [sflag:s6] =	dma.local [hbm:s16], $0x10000  }
0x9f: {  	[spmem:s7], [sflag:s6] =	dma.local [hbm:s17], $0x10000  }
0xa0: {  	s18 =	simm.s32 $0xA;
	_ =	swait.ge [sflag:s6], $0x10000  }
0xa1: {  	s19 =	sor.u32 $0x20000, s8;
	s12 =	simm.s32 $0x20000;
	[sflag:s6] =	ssyncset.done $0x0  }
0xa2: {  	s10 =	sadd.s32 s8, s2;
	s11 =	sadd.s32 s19, s4;
	[sflag:s6] =	ssyncadd.s32 $0xFFFF0000  }
0xa3: {  	[hbm:s10], [sflag:s18] =	dma.local [spmem:s13], $0x10000  }
0xa4: {  	[spmem:s12], [sflag:s6] =	dma.local [hbm:s11], $0x10000  }
0xa5: {  	_ =	swait.ge [sflag:s6], $0x10000  }
0xa6: {  	[sflag:s6] =	ssyncset.done $0x0  }
0xa7: {  	[sflag:s6] =	ssyncadd.s32 $0xFFFF0000  }
0xa8: {  	s9 =	sadd.s32 s9, s2  }
0xa9: {  	[hbm:s9], [sflag:s18] =	dma.local [spmem:s7], $0x10000  }
0xaa: {  	_ =	swait.ge [sflag:s18], $0x10000  }
0xab: {  	[sflag:s18] =	ssyncset.done $0x0  }
0xac: {  	s20 =	sor.u32 $0x30000, s8;
	[sflag:s18] =	ssyncadd.s32 $0xFFFF0000  }
0xad: {  	s21 =	sadd.s32 s20, s4  }
0xae: {  	[spmem:s13], [sflag:s6] =	dma.local [hbm:s21], $0x10000  }
0xaf: {  	_ =	swait.ge [sflag:s6], $0x10000  }
0xb0: {  	[sflag:s6] =	ssyncset.done $0x0  }
0xb1: {  	[sflag:s6] =	ssyncadd.s32 $0xFFFF0000  }
0xb2: {  	s10 =	sadd.s32 s19, s2  }
0xb3: {  	[hbm:s10], [sflag:s18] =	dma.local [spmem:s12], $0x10000  }
0xb4: {  	_ =	swait.ge [sflag:s18], $0x10000  }
0xb5: {  	[sflag:s18] =	ssyncset.done $0x0  }
0xb6: {  	s22 =	sor.u32 $0x40000, s8;
	[sflag:s18] =	ssyncadd.s32 $0xFFFF0000  }
0xb7: {  	s23 =	sadd.s32 s22, s4  }
0xb8: {  	[spmem:s7], [sflag:s6] =	dma.local [hbm:s23], $0x10000  }
0xb9: {  	_ =	swait.ge [sflag:s6], $0x10000  }
0xba: {  	[sflag:s6] =	ssyncset.done $0x0  }
0xbb: {  	[sflag:s6] =	ssyncadd.s32 $0xFFFF0000  }
0xbc: {  	s9 =	sadd.s32 s20, s2  }
0xbd: {  	[hbm:s9], [sflag:s18] =	dma.local [spmem:s13], $0x10000  }
0xbe: {  	_ =	swait.ge [sflag:s18], $0x10000  }
0xbf: {  	[sflag:s18] =	ssyncset.done $0x0  }
0xc0: {  	s24 =	sor.u32 $0x50000, s8;
	[sflag:s18] =	ssyncadd.s32 $0xFFFF0000  }
0xc1: {  	s25 =	sadd.s32 s24, s4  }
0xc2: {  	[spmem:s12], [sflag:s6] =	dma.local [hbm:s25], $0x10000  }
0xc3: {  	_ =	swait.ge [sflag:s6], $0x10000  }
0xc4: {  	[sflag:s6] =	ssyncset.done $0x0  }
0xc5: {  	[sflag:s6] =	ssyncadd.s32 $0xFFFF0000  }
0xc6: {  	s10 =	sadd.s32 s22, s2  }
0xc7: {  	[hbm:s10], [sflag:s18] =	dma.local [spmem:s7], $0x10000  }
0xc8: {  	_ =	swait.ge [sflag:s18], $0x10000  }
0xc9: {  	[sflag:s18] =	ssyncset.done $0x0  }
0xca: {  	s26 =	sor.u32 $0x60000, s8;
	[sflag:s18] =	ssyncadd.s32 $0xFFFF0000  }
0xcb: {  	s28 =	sadd.s32 s26, s4  }
0xcc: {  	[spmem:s13], [sflag:s6] =	dma.local [hbm:s28], $0x10000  }
0xcd: {  	_ =	swait.ge [sflag:s6], $0x10000  }
0xce: {  	[sflag:s6] =	ssyncset.done $0x0  }
0xcf: {  	[sflag:s6] =	ssyncadd.s32 $0xFFFF0000  }
0xd0: {  	s9 =	sadd.s32 s24, s2  }
0xd1: {  	[hbm:s9], [sflag:s18] =	dma.local [spmem:s12], $0x10000  }
0xd2: {  	_ =	swait.ge [sflag:s18], $0x10000  }
0xd3: {  	[sflag:s18] =	ssyncset.done $0x0  }
0xd4: {  	s8 =	sor.u32 $0x70000, s8;
	[sflag:s18] =	ssyncadd.s32 $0xFFFF0000  }
0xd5: {  	s4 =	sadd.s32 s8, s4  }
0xd6: {  	[spmem:s7], [sflag:s6] =	dma.local [hbm:s4], $0x10000  }
0xd7: {  	_ =	swait.ge [sflag:s6], $0x10000  }
0xd8: {  	[sflag:s6] =	ssyncset.done $0x0  }
0xd9: {  	[sflag:s6] =	ssyncadd.s32 $0xFFFF0000  }
0xda: {  	s29 =	sadd.s32 s26, s2  }
0xdb: {  	[hbm:s29], [sflag:s18] =	dma.local [spmem:s13], $0x10000  }
0xdc: {  	_ =	swait.ge [sflag:s6], $0x10000  }
0xdd: {  	[sflag:s6] =	ssyncset.done $0x0  }
0xde: {  	[sflag:s6] =	ssyncadd.s32 $0xFFFF0000  }
0xdf: {  	s2 =	sadd.s32 s8, s2  }
0xe0: {  	[hbm:s2], [sflag:s18] =	dma.local [spmem:s7], $0x10000  }
0xe1: {  	_ =	swait.ge [sflag:s18], $0x10000  }
0xe2: {  	[sflag:s18] =	ssyncset.done $0x0  }
0xe3: {  	[sflag:s18] =	ssyncadd.s32 $0xFFFF0000;
	_ =	sdelay $0x2  }
0xe4: {  	_ =	swait.ge [sflag:s18], $0x10000  }
0xe5: {  	[sflag:s18] =	ssyncset.done $0x0  }
0xe6: {  	[sflag:s18] =	ssyncadd.s32 $0xFFFF0000;
	_ =	sdelay $0x2  }
0xe7: {  	_ =	swait.ge [sflag:s18], $0x10000  }
0xe8: {  	[sflag:s18] =	ssyncset.done $0x0  }
0xe9: {  	[sflag:s18] =	ssyncadd.s32 $0xFFFF0000  }
0xea: {  	_ =	strace $0x90000046  }
0xeb: {  	_ =	sfence  }
0xec: {  	s30 =	sld [smem:$0x0];
	_ =	sdelay $0x2  }
0xed: {  	s31 =	sshll.u32 s1, $0xD;
	s1 =	sshrl.u32 s1, $0x2  }
0xee: {  	s3 =	sand.u32 $0x4000, s31;
	s1 =	sadd.s32 s1, s30  }
0xef: {  	s0 =	sor.u32 s3, s0;
	s1 =	sshll.u32 s1, $0x11  }
0xf0: {  	s0 =	sor.u32 s1, s0  }
0xf1: {  	s0 =	sadd.s32 $0x8F2B, s0;
	(pc) =	sbr.abs _section_cstart, $3  }
0xf2: {  	[sflag:s0] =	ssyncadd.remote.s32 $0x1  }
0xf3: {  	_ =	strace $0x9FFFFFFF  }
0xf4: {  	(tm) =	ssettm $0x7FFFFFFF  }
0xf5: {  	_ =	shalt  }

</sc_bundles>
